<compile_context>
chip_gen: v7x
topology: tpu7x:2x2x1
jax: 0.10.2.dev20260603
libtpu: 0.0.44.dev20260713+nightly
codegen_flags: <defaults>
</compile_context>

<pallas_src>
import functools

import jax
import jax.numpy as jnp
from jax import lax
from jax.experimental import pallas as pl
from jax.experimental.pallas import tpu as pltpu
from jax.experimental.pallas import tpu_sc as plsc

N = 320000
D = 128
NUM_SEG = 10000
NT = 16
HCHUNK = N // NT
OCHUNK = N // 32
SEG_PAD = 10240
SEG_PT = SEG_PAD // NT
L = 16

BN = 16000
G = N // BN


def _matvec_body(f_ref, w_ref, o_ref):
    f = f_ref[0]
    w = w_ref[...]
    o_ref[0] = jnp.exp(jax.lax.dot_general(
        w, f, (((1,), (1,)), ((), ())),
        preferred_element_type=jnp.float32))


def _matvec(features, gamma_w):
    f3 = features.reshape(G, BN, D)
    return pl.pallas_call(
        _matvec_body,
        grid=(G,),
        in_specs=[
            pl.BlockSpec((1, BN, D), lambda i: (i, 0, 0)),
            pl.BlockSpec((1, D), lambda i: (0, 0)),
        ],
        out_specs=pl.BlockSpec((1, 1, BN), lambda i: (i, 0, 0)),
        out_shape=jax.ShapeDtypeStruct((G, 1, BN), jnp.float32),
    )(f3, gamma_w).reshape(N)


_mesh = plsc.VectorSubcoreMesh(core_axis_name="c", subcore_axis_name="s")
_sc_params = pltpu.CompilerParams(needs_layout_passes=False,
                                  use_tc_tiling_on_sc=False)


@functools.partial(
    pl.kernel,
    out_type=jax.ShapeDtypeStruct((N,), jnp.float32),
    mesh=_mesh,
    compiler_params=_sc_params,
    scratch_types=[
        pltpu.VMEM((HCHUNK + L,), jnp.int32),
        pltpu.VMEM((HCHUNK,), jnp.float32),
        pltpu.VMEM((SEG_PAD,), jnp.float32),
        pltpu.VMEM((NT, SEG_PT), jnp.float32),
        pltpu.VMEM((OCHUNK,), jnp.float32),
        pltpu.VMEM_SHARED((NT, SEG_PAD), jnp.float32),
        pltpu.VMEM_SHARED((SEG_PAD,), jnp.float32),
        pltpu.SemaphoreType.DMA,
        pltpu.SemaphoreType.DMA,
    ],
)
def _segment(pid_hbm, logit_hbm, out_hbm, pid_v, logit_v, box_v, red_v, out_v,
             shared, shared_box, sem_a, sem_b):
    cid = lax.axis_index("c")
    sid = lax.axis_index("s")
    base = sid * HCHUNK
    cp_a = pltpu.async_copy(pid_hbm.at[pl.ds(base, HCHUNK)],
                            pid_v.at[pl.ds(0, HCHUNK)], sem_a)
    cp_b = pltpu.async_copy(logit_hbm.at[pl.ds(base, HCHUNK)], logit_v, sem_b)

    @plsc.parallel_loop(0, SEG_PAD // L, unroll=4)
    def _zero(i):
        box_v[pl.ds(i * L, L)] = jnp.zeros((L,), jnp.float32)

    cp_a.wait()
    cp_b.wait()

    lane = lax.iota(jnp.int32, L)
    m_last = lane == (L - 1)
    m_not_last = lane < (L - 1)

    @plsc.parallel_loop(0, HCHUNK // L, unroll=4)
    def _body(i):
        k = i * L
        ids = pid_v[pl.ds(k, L)]
        ids_n = pid_v[pl.ds(k + 1, L)]
        vals = logit_v[pl.ds(k, L)]
        c = plsc.cumsum(vals)
        chg = ids != ids_n
        m_end = jnp.logical_or(chg, m_last)
        m_sub = jnp.logical_and(chg, m_not_last)
        plsc.addupdate_scatter(box_v, [ids], c, mask=m_end)
        plsc.addupdate_scatter(box_v, [ids_n], -c, mask=m_sub)

    pltpu.sync_copy(box_v, shared.at[sid])
    plsc.subcore_barrier()
    pltpu.sync_copy(shared.at[:, pl.ds(sid * SEG_PT, SEG_PT)], red_v)

    def red_body(j, _):
        def rbody(r, acc):
            return acc + red_v[r, pl.ds(j * L, L)]

        acc = lax.fori_loop(0, NT, rbody, jnp.zeros((L,), jnp.float32))
        box_v[pl.ds(j * L, L)] = acc
        return 0

    lax.fori_loop(0, SEG_PT // L, red_body, 0)

    pltpu.sync_copy(box_v.at[pl.ds(0, SEG_PT)],
                    shared_box.at[pl.ds(sid * SEG_PT, SEG_PT)])
    plsc.subcore_barrier()
    pltpu.sync_copy(shared_box, box_v)

    off = cid * OCHUNK

    @plsc.parallel_loop(0, OCHUNK // L, unroll=4)
    def _norm(i):
        k = i * L
        ids = pid_v[pl.ds(off + k, L)]
        vals = logit_v[pl.ds(off + k, L)]
        part = plsc.load_gather(box_v, [ids])
        out_v[pl.ds(k, L)] = vals / part
    pltpu.sync_copy(out_v, out_hbm.at[pl.ds(base + off, OCHUNK)])


def kernel(features, phrase_id, unique_phrase, gamma_w):
    logit = _matvec(features, gamma_w)
    weights = _segment(phrase_id, logit)
    return weights[:, None]

# --- scband reference (transcript-rebuilt; emitter-appended) ---
"""Pipeline reference for scband-weights-31490700215135 (READ-ONLY COPY).

The authoritative reference and input builder live on the scoring server;
editing this copy changes nothing except your own understanding.
"""

import jax, jax.numpy as jnp
import numpy as np

N = 320000
D = 128
NUM_SEG = 10000


def setup_inputs(seed: int = 0) -> dict:
    key = jax.random.key(seed)
    k1, k2, k3 = jax.random.split(key, 3)
    features = jax.random.normal(k1, (N, D), dtype=jnp.float32)
    phrase_id = jnp.sort(jax.random.randint(k2, (N,), 0, NUM_SEG, dtype=jnp.int32))
    unique_phrase = jnp.arange(NUM_SEG, dtype=jnp.int32)
    # learned parameter: nn.Linear(in_features=128, out_features=1, bias=False)
    gamma_w = jax.random.normal(k3, (1, D), dtype=jnp.float32) * 0.05
    return {"features": features, "phrase_id": phrase_id, "unique_phrase": unique_phrase, "gamma_w": gamma_w}


def reference(features, phrase_id, unique_phrase, gamma_w):
    # logit = exp(gamma(features)).reshape(-1)
    logit = jnp.exp(jnp.matmul(features, gamma_w.T).reshape(-1))
    # box = zeros_like(unique_phrase, float); scatter_add over segment ids
    box = jnp.zeros(unique_phrase.shape[0], dtype=jnp.float32)
    box = box.at[phrase_id].add(logit)
    # gather partition function back per element
    logit_partition = box[phrase_id]
    weights = logit / logit_partition
    return weights[:, None]

if __name__ == "__main__":
    import jax
    _d = setup_inputs()
    print(jax.jit(kernel)(*tuple(_d.values())))

</pallas_src>

<mosaic_0001>
#map = affine_map<(d0, d1) -> (0)>
module attributes {stable_mosaic.version = 14 : i64} {
  func.func @_segment(%arg0: i32, %arg1: i32, %arg2: memref<320000xi32, #tpu.memory_space<hbm>>, %arg3: memref<320000xf32, #tpu.memory_space<hbm>>, %arg4: memref<320000xf32, #tpu.memory_space<hbm>>, %arg5: memref<20016xi32, #tpu.memory_space<vmem>>, %arg6: memref<20000xf32, #tpu.memory_space<vmem>>, %arg7: memref<10240xf32, #tpu.memory_space<vmem>>, %arg8: memref<16x640xf32, #tpu.memory_space<vmem>>, %arg9: memref<10000xf32, #tpu.memory_space<vmem>>, %arg10: memref<16x10240xf32, #tpu.memory_space<vmem_shared>>, %arg11: memref<10240xf32, #tpu.memory_space<vmem_shared>>, %arg12: memref<!tpu.dma_semaphore, #tpu.memory_space<semaphore_mem>>, %arg13: memref<!tpu.dma_semaphore, #tpu.memory_space<semaphore_mem>>) attributes {dimension_semantics = [#tpu.dimension_semantics<core_parallel>, #tpu.dimension_semantics<subcore_parallel>], iteration_bounds = array<i64: 2, 16>, scalar_prefetch = 0 : i64, scratch_operands = 9 : i64, tpu.core_type = #tpu.core_type<sc_vector_subcore>, window_params = [{transform_indices = #map}, {transform_indices = #map}, {transform_indices = #map}]} {
    %mul3A = arith.constant 20000 : i32
    %mul3A_0 = arith.muli %arg1, %mul3A : i32
    %dma_start3A = arith.constant 0 : i32
    %dma_start3A_1 = tpu.memref_slice %arg5[%dma_start3A] : memref<20016xi32, #tpu.memory_space<vmem>> -> memref<20000xi32, #tpu.memory_space<vmem>>
    %dma_start3A_2 = tpu.memref_slice %arg2[%mul3A_0] : memref<320000xi32, #tpu.memory_space<hbm>> -> memref<20000xi32, #tpu.memory_space<hbm>>
    %dma_start3A_3 = arith.constant 0 : i32
    %dma_start3A_4 = tpu.memref_slice %arg5[%dma_start3A_3] : memref<20016xi32, #tpu.memory_space<vmem>> -> memref<20000xi32, #tpu.memory_space<vmem>>
    %dma_start3A_5 = tpu.memref_slice %arg2[%mul3A_0] : memref<320000xi32, #tpu.memory_space<hbm>> -> memref<20000xi32, #tpu.memory_space<hbm>>
    tpu.enqueue_dma source(%dma_start3A_5 : memref<20000xi32, #tpu.memory_space<hbm>>) target(%dma_start3A_4 : memref<20000xi32, #tpu.memory_space<vmem>>) target_semaphore(%arg12 : memref<!tpu.dma_semaphore, #tpu.memory_space<semaphore_mem>>)
    %dma_start3A_6 = tpu.memref_slice %arg3[%mul3A_0] : memref<320000xf32, #tpu.memory_space<hbm>> -> memref<20000xf32, #tpu.memory_space<hbm>>
    %dma_start3A_7 = tpu.memref_slice %arg3[%mul3A_0] : memref<320000xf32, #tpu.memory_space<hbm>> -> memref<20000xf32, #tpu.memory_space<hbm>>
    tpu.enqueue_dma source(%dma_start3A_7 : memref<20000xf32, #tpu.memory_space<hbm>>) target(%arg6 : memref<20000xf32, #tpu.memory_space<vmem>>) target_semaphore(%arg13 : memref<!tpu.dma_semaphore, #tpu.memory_space<semaphore_mem>>)
    %parallel_loop3A = arith.constant 0 : i32
    %parallel_loop3A_8 = arith.constant 640 : i32
    %parallel_loop3A_9 = arith.constant 1 : i32
    scf.for %parallel_loop3A_40 = %parallel_loop3A to %parallel_loop3A_8 step %parallel_loop3A_9  : i32 {
      %parallel_loop3A_41 = arith.constant 0.000000e+00 : f32
      %parallel_loop3A_42 = vector.broadcast %parallel_loop3A_41 : f32 to vector<16xf32>
      %parallel_loop3A_43 = arith.constant 16 : i32
      %parallel_loop3A_44 = arith.muli %parallel_loop3A_40, %parallel_loop3A_43 : i32
      %parallel_loop3A_45 = arith.index_cast %parallel_loop3A_44 : i32 to index
      %parallel_loop3A_46 = tpu.vector_load %arg7[%parallel_loop3A_45] {strides = array<i32>} : memref<10240xf32, #tpu.memory_space<vmem>>, vector<16xf32>,
      tpu.vector_store %arg7[%parallel_loop3A_45], %parallel_loop3A_42 {strides = array<i32>} : memref<10240xf32, #tpu.memory_space<vmem>>, vector<16xf32>,
    } {sc.loop_unroll_factor = 4 : i64, sc.parallel_access}
    %dma_wait3A = arith.constant 0 : i32
    %dma_wait3A_10 = tpu.memref_slice %arg5[%dma_wait3A] : memref<20016xi32, #tpu.memory_space<vmem>> -> memref<20000xi32, #tpu.memory_space<vmem>>
    %dma_wait3A_11 = tpu.memref_slice %arg2[%mul3A_0] : memref<320000xi32, #tpu.memory_space<hbm>> -> memref<20000xi32, #tpu.memory_space<hbm>>
    %dma_wait3A_12 = arith.constant 0 : i32
    %dma_wait3A_13 = tpu.memref_slice %arg5[%dma_wait3A_12] : memref<20016xi32, #tpu.memory_space<vmem>> -> memref<20000xi32, #tpu.memory_space<vmem>>
    %dma_wait3A_14 = tpu.memref_slice %arg2[%mul3A_0] : memref<320000xi32, #tpu.memory_space<hbm>> -> memref<20000xi32, #tpu.memory_space<hbm>>
    tpu.wait_dma2 semaphore(%arg12 : memref<!tpu.dma_semaphore, #tpu.memory_space<semaphore_mem>>) src(%dma_wait3A_14 : memref<20000xi32, #tpu.memory_space<hbm>>) dst(%dma_wait3A_13 : memref<20000xi32, #tpu.memory_space<vmem>>)
    %dma_wait3A_15 = tpu.memref_slice %arg3[%mul3A_0] : memref<320000xf32, #tpu.memory_space<hbm>> -> memref<20000xf32, #tpu.memory_space<hbm>>
    %dma_wait3A_16 = tpu.memref_slice %arg3[%mul3A_0] : memref<320000xf32, #tpu.memory_space<hbm>> -> memref<20000xf32, #tpu.memory_space<hbm>>
    tpu.wait_dma2 semaphore(%arg13 : memref<!tpu.dma_semaphore, #tpu.memory_space<semaphore_mem>>) src(%dma_wait3A_16 : memref<20000xf32, #tpu.memory_space<hbm>>) dst(%arg6 : memref<20000xf32, #tpu.memory_space<vmem>>)
    %iota3A = tpu.iota {dimensions = array<i32: 0>} : vector<16xi32>
    %eq3A = arith.constant 15 : i32
    %eq3A_17 = vector.broadcast %eq3A : i32 to vector<16xi32>
    %eq3A_18 = arith.cmpi eq, %iota3A, %eq3A_17 : vector<16xi32>
    %lt3A = arith.constant 15 : i32
    %lt3A_19 = vector.broadcast %lt3A : i32 to vector<16xi32>
    %lt3A_20 = arith.cmpi slt, %iota3A, %lt3A_19 : vector<16xi32>
    %parallel_loop3A_21 = arith.constant 0 : i32
    %parallel_loop3A_22 = arith.constant 1250 : i32
    %parallel_loop3A_23 = arith.constant 1 : i32
    scf.for %parallel_loop3A_40 = %parallel_loop3A_21 to %parallel_loop3A_22 step %parallel_loop3A_23  : i32 {
      %parallel_loop3A_41 = arith.constant 16 : i32
      %parallel_loop3A_42 = arith.muli %parallel_loop3A_40, %parallel_loop3A_41 : i32
      %parallel_loop3A_43 = arith.index_cast %parallel_loop3A_42 : i32 to index
      %parallel_loop3A_44 = tpu.vector_load %arg5[%parallel_loop3A_43] {strides = array<i32>} : memref<20016xi32, #tpu.memory_space<vmem>>, vector<16xi32>,
      %parallel_loop3A_45 = arith.constant 1 : i32
      %parallel_loop3A_46 = arith.addi %parallel_loop3A_42, %parallel_loop3A_45 : i32
      %parallel_loop3A_47 = arith.index_cast %parallel_loop3A_46 : i32 to index
      %parallel_loop3A_48 = tpu.vector_load %arg5[%parallel_loop3A_47] {strides = array<i32>} : memref<20016xi32, #tpu.memory_space<vmem>>, vector<16xi32>,
      %parallel_loop3A_49 = arith.index_cast %parallel_loop3A_42 : i32 to index
      %parallel_loop3A_50 = tpu.vector_load %arg6[%parallel_loop3A_49] {strides = array<i32>} : memref<20000xf32, #tpu.memory_space<vmem>>, vector<16xf32>,
      %parallel_loop3A_51 = arith.constant true
      %parallel_loop3A_52 = vector.broadcast %parallel_loop3A_51 : i1 to vector<16xi1>
      %parallel_loop3A_53 = tpu.scan <sum>, %parallel_loop3A_50 masked %parallel_loop3A_52 : vector<16xf32>, vector<16xi1> -> vector<16xf32>
      %parallel_loop3A_54 = arith.cmpi ne, %parallel_loop3A_44, %parallel_loop3A_48 : vector<16xi32>
      %parallel_loop3A_55 = arith.ori %parallel_loop3A_54, %eq3A_18 : vector<16xi1>
      %parallel_loop3A_56 = arith.andi %parallel_loop3A_54, %lt3A_20 : vector<16xi1>
      tpu.vector_store_idx %arg7[%parallel_loop3A_44], %parallel_loop3A_53 masked %parallel_loop3A_55 {add = true} : memref<10240xf32, #tpu.memory_space<vmem>>[vector<16xi32>], vector<16xf32>, vector<16xi1>
      %parallel_loop3A_57 = arith.constant 0.000000e+00 : f32
      %parallel_loop3A_58 = vector.broadcast %parallel_loop3A_57 : f32 to vector<16xf32>
      %parallel_loop3A_59 = arith.subf %parallel_loop3A_58, %parallel_loop3A_53 : vector<16xf32>
      tpu.vector_store_idx %arg7[%parallel_loop3A_48], %parallel_loop3A_59 masked %parallel_loop3A_56 {add = true} : memref<10240xf32, #tpu.memory_space<vmem>>[vector<16xi32>], vector<16xf32>, vector<16xi1>
    } {sc.loop_unroll_factor = 4 : i64, sc.parallel_access}
    "tpu.region"() ({
      %run_scoped3A = tpu.sem_alloc : memref<!tpu.dma_semaphore, #tpu.memory_space<semaphore_mem>>
      %dma_start3A_40 = arith.constant 0 : i32
      %dma_start3A_41 = tpu.memref_slice %arg10[%arg1, %dma_start3A_40] : memref<16x10240xf32, #tpu.memory_space<vmem_shared>> -> memref<1x10240xf32, #tpu.memory_space<vmem_shared>>
      %dma_start3A_42 = tpu.memref_squeeze %dma_start3A_41 : memref<1x10240xf32, #tpu.memory_space<vmem_shared>> -> memref<10240xf32, #tpu.memory_space<vmem_shared>>
      %dma_start3A_43 = arith.constant 0 : i32
      %dma_start3A_44 = tpu.memref_slice %arg10[%arg1, %dma_start3A_43] : memref<16x10240xf32, #tpu.memory_space<vmem_shared>> -> memref<1x10240xf32, #tpu.memory_space<vmem_shared>>
      %dma_start3A_45 = tpu.memref_squeeze %dma_start3A_44 : memref<1x10240xf32, #tpu.memory_space<vmem_shared>> -> memref<10240xf32, #tpu.memory_space<vmem_shared>>
      tpu.enqueue_dma source(%arg7 : memref<10240xf32, #tpu.memory_space<vmem>>) target(%dma_start3A_45 : memref<10240xf32, #tpu.memory_space<vmem_shared>>) target_semaphore(%run_scoped3A : memref<!tpu.dma_semaphore, #tpu.memory_space<semaphore_mem>>)
      %dma_wait3A_46 = arith.constant 0 : i32
      %dma_wait3A_47 = tpu.memref_slice %arg10[%arg1, %dma_wait3A_46] : memref<16x10240xf32, #tpu.memory_space<vmem_shared>> -> memref<1x10240xf32, #tpu.memory_space<vmem_shared>>
      %dma_wait3A_48 = tpu.memref_squeeze %dma_wait3A_47 : memref<1x10240xf32, #tpu.memory_space<vmem_shared>> -> memref<10240xf32, #tpu.memory_space<vmem_shared>>
      %dma_wait3A_49 = arith.constant 0 : i32
      %dma_wait3A_50 = tpu.memref_slice %arg10[%arg1, %dma_wait3A_49] : memref<16x10240xf32, #tpu.memory_space<vmem_shared>> -> memref<1x10240xf32, #tpu.memory_space<vmem_shared>>
      %dma_wait3A_51 = tpu.memref_squeeze %dma_wait3A_50 : memref<1x10240xf32, #tpu.memory_space<vmem_shared>> -> memref<10240xf32, #tpu.memory_space<vmem_shared>>
      tpu.wait_dma2 semaphore(%run_scoped3A : memref<!tpu.dma_semaphore, #tpu.memory_space<semaphore_mem>>) src(%arg7 : memref<10240xf32, #tpu.memory_space<vmem>>) dst(%dma_wait3A_51 : memref<10240xf32, #tpu.memory_space<vmem_shared>>)
      tpu.yield
    }) : () -> ()
    %barrier3A = arith.constant 0 : index
    tpu.barrier barrier_id(%barrier3A)
    %mul3A_24 = arith.constant 640 : i32
    %mul3A_25 = arith.muli %arg1, %mul3A_24 : i32
    "tpu.region"() ({
      %run_scoped3A = tpu.sem_alloc : memref<!tpu.dma_semaphore, #tpu.memory_space<semaphore_mem>>
      %dma_start3A_40 = arith.constant 0 : i32
      %dma_start3A_41 = tpu.memref_slice %arg10[%dma_start3A_40, %mul3A_25] : memref<16x10240xf32, #tpu.memory_space<vmem_shared>> -> memref<16x640xf32, #tpu.memory_space<vmem_shared>>
      %dma_start3A_42 = arith.constant 0 : i32
      %dma_start3A_43 = tpu.memref_slice %arg10[%dma_start3A_42, %mul3A_25] : memref<16x10240xf32, #tpu.memory_space<vmem_shared>> -> memref<16x640xf32, #tpu.memory_space<vmem_shared>>
      tpu.enqueue_dma source(%dma_start3A_43 : memref<16x640xf32, #tpu.memory_space<vmem_shared>>) target(%arg8 : memref<16x640xf32, #tpu.memory_space<vmem>>) target_semaphore(%run_scoped3A : memref<!tpu.dma_semaphore, #tpu.memory_space<semaphore_mem>>)
      %dma_wait3A_44 = arith.constant 0 : i32
      %dma_wait3A_45 = tpu.memref_slice %arg10[%dma_wait3A_44, %mul3A_25] : memref<16x10240xf32, #tpu.memory_space<vmem_shared>> -> memref<16x640xf32, #tpu.memory_space<vmem_shared>>
      %dma_wait3A_46 = arith.constant 0 : i32
      %dma_wait3A_47 = tpu.memref_slice %arg10[%dma_wait3A_46, %mul3A_25] : memref<16x10240xf32, #tpu.memory_space<vmem_shared>> -> memref<16x640xf32, #tpu.memory_space<vmem_shared>>
      tpu.wait_dma2 semaphore(%run_scoped3A : memref<!tpu.dma_semaphore, #tpu.memory_space<semaphore_mem>>) src(%dma_wait3A_47 : memref<16x640xf32, #tpu.memory_space<vmem_shared>>) dst(%arg8 : memref<16x640xf32, #tpu.memory_space<vmem>>)
      tpu.yield
    }) : () -> ()
    %scan3A = arith.constant 0 : i32
    %scan3A_26 = arith.constant 0 : i32
    %scan3A_27 = arith.constant 40 : i32
    %scan3A_28 = arith.addi %scan3A_26, %scan3A_27 : i32
    %scan3A_29 = arith.constant 1 : i32
    %scan3A_30 = scf.for %scan3A_40 = %scan3A_26 to %scan3A_28 step %scan3A_29 iter_args(%scan3A_41 = %scan3A) -> (i32)  : i32 {
      %broadcast_in_dim3A = arith.constant 0.000000e+00 : f32
      %broadcast_in_dim3A_42 = vector.broadcast %broadcast_in_dim3A : f32 to vector<16xf32>
      %scan3A_43 = arith.constant 0 : i32
      %scan3A_44 = arith.constant 16 : i32
      %scan3A_45 = arith.addi %scan3A_43, %scan3A_44 : i32
      %scan3A_46 = arith.constant 1 : i32
      %scan3A_47 = scf.for %scan3A_53 = %scan3A_43 to %scan3A_45 step %scan3A_46 iter_args(%scan3A_54 = %broadcast_in_dim3A_42) -> (vector<16xf32>)  : i32 {
        %mul3A_55 = arith.constant 16 : i32
        %mul3A_56 = arith.muli %scan3A_40, %mul3A_55 : i32
        %get3A = arith.index_cast %scan3A_53 : i32 to index
        %get3A_57 = arith.index_cast %mul3A_56 : i32 to index
        %get3A_58 = tpu.vector_load %arg8[%get3A, %get3A_57] {strides = array<i32>} : memref<16x640xf32, #tpu.memory_space<vmem>>, vector<16xf32>,
        %add3A_59 = arith.addf %scan3A_54, %get3A_58 : vector<16xf32>
        scf.yield %add3A_59 : vector<16xf32>
      }
      %scan3A_48 = arith.constant 16 : i32
      %mul3A_49 = arith.constant 16 : i32
      %mul3A_50 = arith.muli %scan3A_40, %mul3A_49 : i32
      %swap3A = arith.index_cast %mul3A_50 : i32 to index
      %swap3A_51 = tpu.vector_load %arg7[%swap3A] {strides = array<i32>} : memref<10240xf32, #tpu.memory_space<vmem>>, vector<16xf32>,
      tpu.vector_store %arg7[%swap3A], %scan3A_47 {strides = array<i32>} : memref<10240xf32, #tpu.memory_space<vmem>>, vector<16xf32>,
      %scan3A_52 = arith.constant 0 : i32
      scf.yield %scan3A_52 : i32
    }
    %scan3A_31 = arith.constant 40 : i32
    %mul3A_32 = arith.constant 640 : i32
    %mul3A_33 = arith.muli %arg1, %mul3A_32 : i32
    "tpu.region"() ({
      %run_scoped3A = tpu.sem_alloc : memref<!tpu.dma_semaphore, #tpu.memory_space<semaphore_mem>>
      %dma_start3A_40 = arith.constant 0 : i32
      %dma_start3A_41 = tpu.memref_slice %arg7[%dma_start3A_40] : memref<10240xf32, #tpu.memory_space<vmem>> -> memref<640xf32, #tpu.memory_space<vmem>>
      %dma_start3A_42 = tpu.memref_slice %arg11[%mul3A_33] : memref<10240xf32, #tpu.memory_space<vmem_shared>> -> memref<640xf32, #tpu.memory_space<vmem_shared>>
      %dma_start3A_43 = tpu.memref_slice %arg11[%mul3A_33] : memref<10240xf32, #tpu.memory_space<vmem_shared>> -> memref<640xf32, #tpu.memory_space<vmem_shared>>
      %dma_start3A_44 = arith.constant 0 : i32
      %dma_start3A_45 = tpu.memref_slice %arg7[%dma_start3A_44] : memref<10240xf32, #tpu.memory_space<vmem>> -> memref<640xf32, #tpu.memory_space<vmem>>
      tpu.enqueue_dma source(%dma_start3A_45 : memref<640xf32, #tpu.memory_space<vmem>>) target(%dma_start3A_43 : memref<640xf32, #tpu.memory_space<vmem_shared>>) target_semaphore(%run_scoped3A : memref<!tpu.dma_semaphore, #tpu.memory_space<semaphore_mem>>)
      %dma_wait3A_46 = arith.constant 0 : i32
      %dma_wait3A_47 = tpu.memref_slice %arg7[%dma_wait3A_46] : memref<10240xf32, #tpu.memory_space<vmem>> -> memref<640xf32, #tpu.memory_space<vmem>>
      %dma_wait3A_48 = tpu.memref_slice %arg11[%mul3A_33] : memref<10240xf32, #tpu.memory_space<vmem_shared>> -> memref<640xf32, #tpu.memory_space<vmem_shared>>
      %dma_wait3A_49 = tpu.memref_slice %arg11[%mul3A_33] : memref<10240xf32, #tpu.memory_space<vmem_shared>> -> memref<640xf32, #tpu.memory_space<vmem_shared>>
      %dma_wait3A_50 = arith.constant 0 : i32
      %dma_wait3A_51 = tpu.memref_slice %arg7[%dma_wait3A_50] : memref<10240xf32, #tpu.memory_space<vmem>> -> memref<640xf32, #tpu.memory_space<vmem>>
      tpu.wait_dma2 semaphore(%run_scoped3A : memref<!tpu.dma_semaphore, #tpu.memory_space<semaphore_mem>>) src(%dma_wait3A_51 : memref<640xf32, #tpu.memory_space<vmem>>) dst(%dma_wait3A_49 : memref<640xf32, #tpu.memory_space<vmem_shared>>)
      tpu.yield
    }) : () -> ()
    %barrier3A_34 = arith.constant 0 : index
    tpu.barrier barrier_id(%barrier3A_34)
    "tpu.region"() ({
      %run_scoped3A = tpu.sem_alloc : memref<!tpu.dma_semaphore, #tpu.memory_space<semaphore_mem>>
      tpu.enqueue_dma source(%arg11 : memref<10240xf32, #tpu.memory_space<vmem_shared>>) target(%arg7 : memref<10240xf32, #tpu.memory_space<vmem>>) target_semaphore(%run_scoped3A : memref<!tpu.dma_semaphore, #tpu.memory_space<semaphore_mem>>)
      tpu.wait_dma2 semaphore(%run_scoped3A : memref<!tpu.dma_semaphore, #tpu.memory_space<semaphore_mem>>) src(%arg11 : memref<10240xf32, #tpu.memory_space<vmem_shared>>) dst(%arg7 : memref<10240xf32, #tpu.memory_space<vmem>>)
      tpu.yield
    }) : () -> ()
    %mul3A_35 = arith.constant 10000 : i32
    %mul3A_36 = arith.muli %arg0, %mul3A_35 : i32
    %parallel_loop3A_37 = arith.constant 0 : i32
    %parallel_loop3A_38 = arith.constant 625 : i32
    %parallel_loop3A_39 = arith.constant 1 : i32
    scf.for %parallel_loop3A_40 = %parallel_loop3A_37 to %parallel_loop3A_38 step %parallel_loop3A_39  : i32 {
      %parallel_loop3A_41 = arith.constant 16 : i32
      %parallel_loop3A_42 = arith.muli %parallel_loop3A_40, %parallel_loop3A_41 : i32
      %parallel_loop3A_43 = arith.addi %mul3A_36, %parallel_loop3A_42 : i32
      %parallel_loop3A_44 = arith.index_cast %parallel_loop3A_43 : i32 to index
      %parallel_loop3A_45 = tpu.vector_load %arg5[%parallel_loop3A_44] {strides = array<i32>} : memref<20016xi32, #tpu.memory_space<vmem>>, vector<16xi32>,
      %parallel_loop3A_46 = arith.addi %mul3A_36, %parallel_loop3A_42 : i32
      %parallel_loop3A_47 = arith.index_cast %parallel_loop3A_46 : i32 to index
      %parallel_loop3A_48 = tpu.vector_load %arg6[%parallel_loop3A_47] {strides = array<i32>} : memref<20000xf32, #tpu.memory_space<vmem>>, vector<16xf32>,
      %parallel_loop3A_49 = tpu.vector_load_idx %arg7[%parallel_loop3A_45] : memref<10240xf32, #tpu.memory_space<vmem>>[vector<16xi32>], vector<16xf32>,
      %parallel_loop3A_50 = arith.divf %parallel_loop3A_48, %parallel_loop3A_49 : vector<16xf32>
      %parallel_loop3A_51 = arith.index_cast %parallel_loop3A_42 : i32 to index
      %parallel_loop3A_52 = tpu.vector_load %arg9[%parallel_loop3A_51] {strides = array<i32>} : memref<10000xf32, #tpu.memory_space<vmem>>, vector<16xf32>,
      tpu.vector_store %arg9[%parallel_loop3A_51], %parallel_loop3A_50 {strides = array<i32>} : memref<10000xf32, #tpu.memory_space<vmem>>, vector<16xf32>,
    } {sc.loop_unroll_factor = 4 : i64, sc.parallel_access}
    %add3A = arith.addi %mul3A_0, %mul3A_36 : i32
    "tpu.region"() ({
      %run_scoped3A = tpu.sem_alloc : memref<!tpu.dma_semaphore, #tpu.memory_space<semaphore_mem>>
      %dma_start3A_40 = tpu.memref_slice %arg4[%add3A] : memref<320000xf32, #tpu.memory_space<hbm>> -> memref<10000xf32, #tpu.memory_space<hbm>>
      %dma_start3A_41 = tpu.memref_slice %arg4[%add3A] : memref<320000xf32, #tpu.memory_space<hbm>> -> memref<10000xf32, #tpu.memory_space<hbm>>
      tpu.enqueue_dma source(%arg9 : memref<10000xf32, #tpu.memory_space<vmem>>) target(%dma_start3A_41 : memref<10000xf32, #tpu.memory_space<hbm>>) target_semaphore(%run_scoped3A : memref<!tpu.dma_semaphore, #tpu.memory_space<semaphore_mem>>)
      %dma_wait3A_42 = tpu.memref_slice %arg4[%add3A] : memref<320000xf32, #tpu.memory_space<hbm>> -> memref<10000xf32, #tpu.memory_space<hbm>>
      %dma_wait3A_43 = tpu.memref_slice %arg4[%add3A] : memref<320000xf32, #tpu.memory_space<hbm>> -> memref<10000xf32, #tpu.memory_space<hbm>>
      tpu.wait_dma2 semaphore(%run_scoped3A : memref<!tpu.dma_semaphore, #tpu.memory_space<semaphore_mem>>) src(%arg9 : memref<10000xf32, #tpu.memory_space<vmem>>) dst(%dma_wait3A_43 : memref<10000xf32, #tpu.memory_space<hbm>>)
      tpu.yield
    }) : () -> ()
    return
  }
}

module attributes {stable_mosaic.version = 14 : i64} {
  func.func @_matvec_body(%arg0: i32, %arg1: memref<1x16000x128xf32, #tpu.memory_space<vmem>>, %arg2: memref<1x128xf32, #tpu.memory_space<vmem>>, %arg3: memref<1x1x16000xf32, #tpu.memory_space<vmem>>) attributes {dimension_semantics = [#tpu.dimension_semantics<arbitrary>], iteration_bounds = array<i64: 20>, scalar_prefetch = 0 : i64, scratch_operands = 0 : i64, tpu.core_type = #tpu.core_type<tc>, window_params = [{transform_indices = @transform_0, window_bounds = array<i64: 1, 16000, 128>}, {pipeline_mode = #tpu.pipeline_mode<synchronous>, transform_indices = @transform_1, window_bounds = array<i64: 1, 128>}, {transform_indices = @transform_2, window_bounds = array<i64: 1, 1, 16000>}]} {
    %get3A = arith.constant 0 : index
    %get3A_0 = arith.constant 0 : index
    %get3A_1 = arith.constant 0 : index
    %get3A_2 = vector.load %arg1[%get3A, %get3A_0, %get3A_1] : memref<1x16000x128xf32, #tpu.memory_space<vmem>>, vector<1x16000x128xf32>
    %get3A_3 = vector.shape_cast %get3A_2 : vector<1x16000x128xf32> to vector<16000x128xf32>
    %get3A_4 = arith.constant 0 : index
    %get3A_5 = arith.constant 0 : index
    %get3A_6 = vector.load %arg2[%get3A_4, %get3A_5] : memref<1x128xf32, #tpu.memory_space<vmem>>, vector<1x128xf32>
    %dot_general3A = arith.constant dense<0.000000e+00> : vector<1x16000xf32>
    %dot_general3A_7 = tpu.matmul %get3A_6, %get3A_3, %dot_general3A {dimension_numbers = #tpu.dot_dimension_numbers<[1], [1], [0], [0], [0, 0, 1, 0], [], []>, transpose_lhs_hint = false} : vector<1x128xf32>, vector<16000x128xf32>, vector<1x16000xf32> -> vector<1x16000xf32>
    %exp3A = math.exp %dot_general3A_7 : vector<1x16000xf32>
    %swap3A = arith.constant 0 : index
    %swap3A_8 = arith.constant 0 : index
    %swap3A_9 = arith.constant 0 : index
    %swap3A_10 = vector.load %arg3[%swap3A, %swap3A_8, %swap3A_9] : memref<1x1x16000xf32, #tpu.memory_space<vmem>>, vector<1x1x16000xf32>
    %swap3A_11 = vector.shape_cast %swap3A_10 : vector<1x1x16000xf32> to vector<1x16000xf32>
    %swap3A_12 = vector.shape_cast %exp3A : vector<1x16000xf32> to vector<1x1x16000xf32>
    tpu.vector_store %arg3[%swap3A, %swap3A_8, %swap3A_9], %swap3A_12 {strides = array<i32>} : memref<1x1x16000xf32, #tpu.memory_space<vmem>>, vector<1x1x16000xf32>,
    return
  }
  func.func @transform_0(%arg0: i32) -> (i32, i32, i32) {
    %c0_i32 = arith.constant 0 : i32
    %c0_i32_0 = arith.constant 0 : i32
    %c0_i32_1 = arith.constant 0 : i32
    return %arg0, %c0_i32, %c0_i32_0 : i32, i32, i32
  }
  func.func @transform_1(%arg0: i32) -> (i32, i32) {
    %c0_i32 = arith.constant 0 : i32
    %c0_i32_0 = arith.constant 0 : i32
    %c0_i32_1 = arith.constant 0 : i32
    return %c0_i32, %c0_i32_0 : i32, i32
  }
  func.func @transform_2(%arg0: i32) -> (i32, i32, i32) {
    %c0_i32 = arith.constant 0 : i32
    %c0_i32_0 = arith.constant 0 : i32
    %c0_i32_1 = arith.constant 0 : i32
    return %arg0, %c0_i32, %c0_i32_0 : i32, i32, i32
  }
}

</mosaic_0001>

<sc_bundles>
// kernel: kernel.4.cloned.1.call-start
scs
__scs_entry_jumppad:
0x0: {  	(pc) =	sbr.rel $0x88, $3  }
0x1: {  	(tag) =	ssettag $0x0;
	lr =	simm.s32 $0x1  }
0x2: {  	[smem:$0x3F9E] =	sst lr;
	_ =	strace $0xD0000000  }
0x3: {  	_ = 	snop  }
0x4: {  	_ = 	snop  }
0x5: {  	_ = 	snop  }
0x6: {  	_ = 	snop  }
0x7: {  	_ = 	snop  }
__scs_overlays_trampoline_lowered:
0x8: {  	[smem:$0x3FAD] =	sst s0  }
0x9: {  	[smem:$0x3FAE] =	sst s1  }
0xa: {  	[smem:$0x3FAF] =	sst s2  }
0xb: {  	[smem:$0x3FB0] =	sst s3  }
0xc: {  	[smem:$0x3FB1] =	sst s4  }
0xd: {  	[smem:$0x3FB2] =	sst s5  }
0xe: {  	[smem:$0x3FB3] =	sst s6  }
0xf: {  	[smem:$0x3FB4] =	sst s7  }
0x10: {  	[smem:$0x3FB5] =	sst s8  }
0x11: {  	[smem:$0x3FB6] =	sst s9;
	s0 =	simm.s32 @!p0 $0x0  }
0x12: {  	s1 =	sld [smem:$0x3F9C];
	s0 =	simm.s32 @p0 $0x1  }
0x13: {  	[smem:$0x3FB7] =	sst s0;
	s0 =	simm.s32 @!p1 $0x0  }
0x14: {  	s2 =	sld [smem:$0x3F9B];
	s0 =	simm.s32 @p1 $0x1  }
0x15: {  	[smem:$0x3FB8] =	sst s0;
	s0 =	simm.s32 @!p2 $0x0  }
0x16: {  	s3 =	sld [smem:$0x3FDB];
	s0 =	simm.s32 @p2 $0x1  }
0x17: {  	s4 =	simm.s32 $0x1BF5;
	[smem:$0x3FBA] =	sst s0  }
0x18: {  	s0 =	sld [smem:$0x3F9D];
	_ =	swait.ge [sflag:s4], $0x0  }
0x19: {  	s7 =	sld [smem:$0x3F9E]  }
0x1a: {  	s8 =	sadd.s32 $0xFFFFE003, lr  }
0x1b: {  	s9 =	sadd.s32 $0xFFFFFEF7, lr;
	s5 =	simm.s32 $0xFFFFFFFF;
	p2 =	slt.u32 s8, $0xFFFFF086  }
0x1c: {  	p1 =	slt.u32 s9, $0xF7A;
	s5 =	simm.s32 @!p2 $0x0  }
0x1d: {  	s5 =	simm.s32 @p1 $0x1;
	p0 =	seq.s32 s7, s2  }
0x1e: {  	s7 =	smul.u32 @!p0 $0xF7A, s2;
	p2 =	seq.s32 @!p0 s5, $0x0  }
0x1f: {  	s9 =	smul.u32 $0xF7A, s1;
	s8 =	simm.s32 @!p0 $0x1BF5;
	p2 =	por !p2, p0  }
0x20: {  	[sflag:s8] =	ssyncset.s32 @!p0 $0xFFFFF086;
	s6 =	sadd.s32 @!p0 s3, s7;
	s7 =	simm.s32 @!p0 $0x108  }
0x21: {  	s3 =	sadd.s32 s3, s9;
	s6 =	sadd.s32 @!p0 $0x88, s6;
	s7 =	simm.s32 @p2 $0x1082  }
0x22: {  	[simem:s7], [sflag:s8] =	dma.local @!p0 [hbm:s6], $0xF7A  }
0x23: {  	s9 =	sor.u32 $0xD0000000, s2;
	s6 =	simm.s32 $0x108;
	_ =	swait.ge @!p0 [sflag:s8], $0x0  }
0x24: {  	s3 =	sadd.s32 $0x88, s3;
	s6 =	simm.s32 @!p1 $0x1082;
	[sflag:s4] =	ssyncset.s32 $0xFFFFF086  }
0x25: {  	[simem:s6], [sflag:s4] =	dma.local [hbm:s3], $0xF7A  }
0x26: {  	[smem:$0x3F9E] =	sst s1;
	(tag) =	ssettag s2;
	_ =	strace s9  }
0x27: {  	s1 =	sld [smem:$0x3FAE]  }
0x28: {  	s2 =	sld [smem:$0x3FAF]  }
0x29: {  	s4 =	sld [smem:$0x3FB1]  }
0x2a: {  	p0 =	seq.s32 s5, $0x0;
	s5 =	sld [smem:$0x3FB2]  }
0x2b: {  	s6 =	sld [smem:$0x3FB3]  }
0x2c: {  	s7 =	sld [smem:$0x3FB4]  }
0x2d: {  	s3 =	simm.s32 $0x108;
	s8 =	sld [smem:$0x3FB5]  }
0x2e: {  	s3 =	simm.s32 @!p0 $0x1082;
	s9 =	sld [smem:$0x3FB6]  }
0x2f: {  	lr =	sadd.s32 s0, s3;
	s0 =	sld [smem:$0x3FAD]  }
0x30: {  	s3 =	sld [smem:$0x3FB0]  }
0x31: {  	[smem:$0x3FB9] =	sst s10  }
0x32: {  	s10 =	sld [smem:$0x3FB7];
	_ =	sdelay $0x3  }
0x33: {  	p0 =	seq.s32 s10, $0x1;
	s10 =	sld [smem:$0x3FB9];
	_ =	sdelay $0x3  }
0x34: {  	[smem:$0x3FB9] =	sst s10  }
0x35: {  	s10 =	sld [smem:$0x3FB8];
	_ =	sdelay $0x3  }
0x36: {  	p1 =	seq.s32 s10, $0x1;
	s10 =	sld [smem:$0x3FB9];
	_ =	sdelay $0x3  }
0x37: {  	[smem:$0x3FB9] =	sst s10  }
0x38: {  	s10 =	sld [smem:$0x3FBA]  }
0x39: {  	_ = 	snop;
	(pc) =	sbr.ind lr, $3  }
0x3a: {  	_ = 	snop  }
0x3b: {  	_ = 	snop  }
0x3c: {  	p2 =	seq.s32 s10, $0x1;
	s10 =	sld [smem:$0x3FB9]  }
0x3d: {  	_ =	shalt  }
0x3e: {  	_ =	shalt  }
0x3f: {  	_ =	shalt  }
0x40: {  	_ =	shalt  }
0x41: {  	_ =	shalt  }
0x42: {  	_ =	shalt  }
0x43: {  	_ =	shalt  }
0x44: {  	_ =	shalt  }
0x45: {  	_ =	shalt  }
0x46: {  	_ =	shalt  }
0x47: {  	_ =	shalt  }
0x48: {  	_ =	shalt  }
0x49: {  	_ =	shalt  }
0x4a: {  	_ =	shalt  }
0x4b: {  	_ =	shalt  }
0x4c: {  	_ =	shalt  }
0x4d: {  	_ =	shalt  }
0x4e: {  	_ =	shalt  }
0x4f: {  	_ =	shalt  }
0x50: {  	_ =	shalt  }
0x51: {  	_ =	shalt  }
0x52: {  	_ =	shalt  }
0x53: {  	_ =	shalt  }
0x54: {  	_ =	shalt  }
0x55: {  	_ =	shalt  }
0x56: {  	_ =	shalt  }
0x57: {  	_ =	shalt  }
0x58: {  	_ =	shalt  }
0x59: {  	_ =	shalt  }
0x5a: {  	_ =	shalt  }
0x5b: {  	_ =	shalt  }
0x5c: {  	_ =	shalt  }
0x5d: {  	_ =	shalt  }
0x5e: {  	_ =	shalt  }
0x5f: {  	_ =	shalt  }
0x60: {  	_ =	shalt  }
0x61: {  	_ =	shalt  }
0x62: {  	_ =	shalt  }
0x63: {  	_ =	shalt  }
0x64: {  	_ =	shalt  }
0x65: {  	_ =	shalt  }
0x66: {  	_ =	shalt  }
0x67: {  	_ =	shalt  }
0x68: {  	_ =	shalt  }
0x69: {  	_ =	shalt  }
0x6a: {  	_ =	shalt  }
0x6b: {  	_ =	shalt  }
0x6c: {  	_ =	shalt  }
0x6d: {  	_ =	shalt  }
0x6e: {  	_ =	shalt  }
0x6f: {  	_ =	shalt  }
0x70: {  	_ =	shalt  }
0x71: {  	_ =	shalt  }
0x72: {  	_ =	shalt  }
0x73: {  	_ =	shalt  }
0x74: {  	_ =	shalt  }
0x75: {  	_ =	shalt  }
0x76: {  	_ =	shalt  }
0x77: {  	_ =	shalt  }
0x78: {  	_ =	shalt  }
0x79: {  	_ =	shalt  }
0x7a: {  	_ =	shalt  }
0x7b: {  	_ =	shalt  }
0x7c: {  	_ =	shalt  }
0x7d: {  	_ =	shalt  }
0x7e: {  	_ =	shalt  }
0x7f: {  	_ =	shalt  }
0x80: {  	_ =	shalt  }
0x81: {  	_ =	shalt  }
0x82: {  	_ =	shalt  }
0x83: {  	_ =	shalt  }
0x84: {  	_ =	shalt  }
0x85: {  	_ =	shalt  }
0x86: {  	_ =	shalt  }
0x87: {  	_ =	shalt  }
.Lfunc_end0:
.L_simem_size_0:
called_computation_lowered:
.L_overlay_start_0:
0x88: {  	s2 =	sld [smem:$0x3FD9]  }
0x89: {  	s3 =	sld [smem:$0x3FFE];
	_ =	sdelay $0x1  }
0x8a: {  	s1 =	srdreg.scid  }
0x8b: {  	s0 =	sand.u32 $0x1, s1  }
0x8c: {  	s17 =	sshll.u32 s0, $0xA;
	s2 =	sadd.s32 s3, s2  }
0x8d: {  	s2 =	sadd.s32 s2, s17  }
0x8e: {  	[smem:$0x3FC5] =	sst s2  }
0x8f: {  	_ = 	snop  }
0x90: {  	s2 =	sld [smem:$0x3FC8];
	(tm) =	ssettm $0x1  }
0x91: {  	s18 =	sld [smem:$0x3FFB];
	_ =	sdelay $0x3  }
0x92: {  	_ =	strace s18  }
0x93: {  	s3 =	sld [smem:$0x3FFC];
	_ =	sdelay $0x3  }
0x94: {  	_ =	strace s3  }
0x95: {  	s3 =	sld [smem:$0x3FFD];
	_ =	sdelay $0x3  }
0x96: {  	_ =	strace s3  }
0x97: {  	_ =	strace $0x8FFFFFFF  }
0x98: {  	s19 =	sld [smem:$0x3FDB];
	_ =	sdelay $0x1  }
0x99: {  	s4 =	simm.s32 $_scs_section_size  }
0x9a: {  	s5 =	simm.s32 $_size__tile_overlayer_lowered;
	s6 =	simm.s32 $_tile_overlayer_lowered  }
0x9b: {  	s22 =	simm.s32 $0x1BFF;
	s21 =	sshll.u32 s6, $0x1;
	s3 =	sadd.s32 s4, s19  }
0x9c: {  	s7 =	simm.s32 $0x0;
	s20 =	sshll.u32 s5, $0x1;
	s5 =	sadd.s32 s21, s3  }
0x9d: {  	[timem:s7], [sflag:s22] =	dma.local [hbm:s5], s20  }
0x9e: {  	_ =	swait.ge [sflag:s22], s20  }
0x9f: {  	s4 =	ssub.s32 $0x0, s20;
	[sflag:s22] =	ssyncset.done $0x0  }
0xa0: {  	[sflag:s22] =	ssyncadd.s32 s4;
	_ =	sdelay $0x1  }
0xa1: {  	s23 =	simm.s32 $0x1B8B  }
0xa2: {  	_ =	swait.ge [sflag:s23], $0x1  }
0xa3: {  	[sflag:s23] =	ssyncset.done $0x0  }
0xa4: {  	s25 =	simm.s32 $0x1B8E;
	s24 =	sld [smem:$0x3FFE];
	[sflag:s23] =	ssyncadd.s32 $0xFFFFFFFF  }
0xa5: {  	s26 =	simm.s32 $execute0_lowered;
	[smem:$0x3FD2] =	sst s25  }
0xa6: {  	s5 =	sshll.u32 s26, $0x1;
	_ =	strace $0x80000046;
	[dreg:$0x1] =	wrdreg $0xFFFFFFFF  }
0xa7: {  	s28 =	simm.s32 $_size_execute0_lowered;
	s3 =	sadd.s32 s3, s5;
	[dreg:$0x0] =	wrdreg $0x0  }
0xa8: {  	s5 =	sshll.u32 s28, $0x1;
	[dreg:$0x2] =	wrdreg s3  }
0xa9: {  	[dreg:$0x3] =	wrdreg s5  }
0xaa: {  	[dreg:$0x4] =	wrdreg $0xC0  }
0xab: {  	_ =	task [dreg:s7], $0x5FFFF  }
0xac: {  	[dreg:$0x1] =	wrdreg $0xFFFFFFFF  }
0xad: {  	[dreg:$0x0] =	wrdreg $0x60  }
0xae: {  	[dreg:$0x2] =	wrdreg s2  }
0xaf: {  	[dreg:$0x3] =	wrdreg s24  }
0xb0: {  	[dreg:$0x4] =	wrdreg $0x113600  }
0xb1: {  	[dreg:$0x5] =	wrdreg $0x13B600  }
0xb2: {  	[dreg:$0x6] =	wrdreg $0x9  }
0xb3: {  	_ =	task.clear_ibuf [dreg:s7], $0x7FFFF;
	_ =	strace $0x90000046  }
0xb4: {  	s29 =	simm.s32 $0x9;
	_ =	strace $0x80000048  }
0xb5: {  	_ =	swait.ge [sflag:s29], $0x1  }
0xb6: {  	[sflag:s29] =	ssyncadd.s32 $0xFFFFFFFF  }
0xb7: {  	_ =	strace $0x90000048  }
0xb8: {  	_ =	sfence  }
0xb9: {  	s30 =	sld [smem:$0x0];
	_ =	sdelay $0x2  }
0xba: {  	s31 =	sshll.u32 s1, $0xD;
	s1 =	sshrl.u32 s1, $0x2  }
0xbb: {  	s3 =	sand.u32 $0x4000, s31;
	s1 =	sadd.s32 s1, s30  }
0xbc: {  	s0 =	sor.u32 s3, s0;
	s1 =	sshll.u32 s1, $0x11  }
0xbd: {  	s0 =	sor.u32 s1, s0  }
0xbe: {  	s0 =	sadd.s32 $0x8F2B, s0  }
0xbf: {  	[sflag:s0] =	ssyncadd.remote.s32 $0x1  }
0xc0: {  	_ =	sfence.sel $0xFFFF  }
0xc1: {  	[dreg:$0x0] =	wrdreg $0xFFFFFFFF;
	(pc) =	sbr.abs _section_cstart, $3  }
0xc2: {  	[dreg:$0x1] =	wrdreg $0xFFFFFFFF  }
0xc3: {  	_ =	task.clear_ibuf [dreg:s7], $0x2FFFF;
	_ =	strace $0x9FFFFFFF  }
0xc4: {  	(tm) =	ssettm $0x7FFFFFFF  }
0xc5: {  	_ =	shalt  }
tec
execute0_lowered:
.L_overlay_start_1:
0x0: {  	(tag) =	ssettag $0x1  }
0x1: {  	s5 =	rddreg [dreg:$0x0]  }
0x2: {  	s6 =	rddreg [dreg:$0x1]  }
0x3: {  	s8 =	rddreg [dreg:$0x2]  }
0x4: {  	s2 =	rddreg [dreg:$0x3]  }
0x5: {  	s0 =	rddreg [dreg:$0x4]  }
0x6: {  	s1 =	stileid.u32;
	s4 =	srdreg.scid  }
0x7: {  	s3 =	simm.s32 $0x0;
	s16 =	simm.s32 $0x1;
	s17 =	simm.s32 $0x2  }
0x8: {  	s18 =	simm.s32 $0x9C50;
	s19 =	simm.s32 $0x3;
	s20 =	simm.s32 $0x280  }
0x9: {  	s21 =	simm.s32 $0x2800;
	s22 =	simm.s32 $0xC450;
	s7 =	smul.u32 $0x4E20, s1  }
0xa: {  	s23 =	simm.s32 $0xEC50;
	s24 =	simm.s32 $0x0;
	s13 =	smul.u32 $0xA000, s1  }
0xb: {  	s9 =	sand.u32 $0x1, s4;
	[smem:$0x7FF] =	sst s3;
	s29 =	smul.u32 $0x280, s1  }
0xc: {  	s4 =	smul.u32 $0x2710, s9;
	_ =	strace $0x80000047;
	s11 =	ssub.s32 $0x2, s9  }
0xd: {  	s30 =	smul.u32 $0x9C40, s9;
	s10 =	sshrl.u32 s7, $0x3;
	s12 =	sshrl.u32 s11, $0x1  }
0xe: {  	s28 =	sshrl.u32 s13, $0x2;
	s9 =	sadd.s32 s29, s2;
	s7 =	sadd.s32 s4, s7  }
0xf: {  	s14 =	sadd.s32 s10, s6;
	s12 =	ssub.s32 s11, s12;
	s5 =	sadd.s32 s5, s10  }
0x10: {  	s10 =	sadd.s32 $0x2700, s4;
	s31 =	sshrl.u32 s30, $0x2;
	s7 =	sshrl.u32 s7, $0x3  }
0x11: {  	s12 =	smax.u32 s12, $0x1;
	s13 =	sadd.s32 $0x20, s31;
	s15 =	sadd.s32 s7, s6  }
0x12: {  	s6 =	sadd.s32 $0x200, s14;
	s7 =	sadd.s32 s28, s8;
	s8 =	sadd.s32 s29, s8  }
0x13: {  	v0 =	vimm.f32 $0.0e+00;
	vm0 =	vcmask $0x3F3C;
	vm1 =	vmmov $0x7fff;
	s14 =	sadd.s32 $0x4E50, s31;
	s11 =	sadd.s32 $0xA000, s15;
	s15 =	simm.s32 $0x4E30  }
.LBB2_1:
0x14: {  	[tilespmem:s3], [sflag:$0x1] =	stream.linear.gather [hbm4b:s5+s3], $0x4E20, $0x38;
	[tilespmem:$0x13DE0] =	vst v63  }
0x15: {  	s25 =	simm.s32 $0x9C70  }
0x16: {  	[tilespmem:s15], [sflag:$0x2] =	stream.linear.gather [hbm4b:s6+s3], $0x4E20, $0x38;
	[tilespmem:$0x13DE0] =	vst v63  }
0x17: {  	[tilespmem:s25+$0xFFFFFFE0] =	vst v0  }
0x18: {  	[tilespmem:s25+$0x10] =	vst v0  }
0x19: {  	s26 =	simm.s32 $0x0;
	[tilespmem:s25+$0x0] =	vst v0  }
.LBB2_2:
0x1a: {  	s26 =	sadd.s32 $0x4, s26  }
0x1b: {  	[tilespmem:s25+$0xFFFFFFF0] =	vst v0;
	s25 =	sadd.s32 $0x40, s25;
	p0 =	slt.u32 s26, $0x27C  }
.Ltmp0:
0x1c: {  	[tilespmem:s25+$0xFFFFFFE0] =	vst v0;
	(pc) =	sbr.rel @p0 .LBB2_2-.Ltmp0, $3  }
0x1d: {  	_ =	sdelay $0x1  }
0x1e: {  	[tilespmem:s25+$0x10] =	vst v0  }
0x1f: {  	[tilespmem:s25+$0x0] =	vst v0  }
0x20: {  	[tilespmem:s25+$0xFFFFFFF0] =	vst v0  }
0x21: {  	_ =	swait.ge [sflag:s16], $0x4E20  }
0x22: {  	[sflag:s16] =	ssyncset.done $0x0  }
0x23: {  	[sflag:s16] =	ssyncadd.s32 $0xFFFFB1E0  }
0x24: {  	_ =	swait.ge [sflag:s17], $0x4E20  }
0x25: {  	[sflag:s17] =	ssyncset.done $0x0  }
0x26: {  	s31 =	simm.s32 $0x4E50;
	[sflag:s17] =	ssyncadd.s32 $0xFFFFB1E0  }
0x27: {  	s26 =	simm.s32 $0x20;
	v6 =	vld [tilespmem:s31+$0xFFFFFFF0]  }
0x28: {  	v7 =	vld [tilespmem:s26+$0xFFFFFFF0]  }
0x29: {  	v1 =	vld [tilespmem:s26+$0xFFFFFFF1]  }
0x2a: {  	v8 =	vld [tilespmem:s31+$0x10]  }
0x2b: {  	v3 =	vld [tilespmem:s26+$0x11]  }
0x2c: {  	v5 =	vld [tilespmem:s26+$0x10];
	(xrf2) =	vadd.scan.msk.f32 $0xffff, v6  }
0x2d: {  	v10 =	vld [tilespmem:s31+$0xFFFFFFE0]  }
0x2e: {  	v2 =	vld [tilespmem:s26+$0x1]  }
0x2f: {  	v4 =	vld [tilespmem:s26+$0x0];
	(xrf2) =	vadd.scan.msk.f32 $0xffff, v8  }
0x30: {  	v9 =	vld [tilespmem:s31+$0x0]  }
0x31: {  	vm2 =	vne.s32 v7, v1  }
0x32: {  	vm3 =	vne.s32 v5, v3;
	v6 =	vld [tilespmem:s26+$0xFFFFFFE1];
	vm5 =	vmor vm2, vm0;
	(xrf2) =	vadd.scan.msk.f32 $0xffff, v10  }
0x33: {  	s25 =	simm.s32 $0x0;
	s28 =	simm.s32 $0x4E90;
	v8 =	vld [tilespmem:s26+$0xFFFFFFE0];
	vm4 =	vmor vm3, vm0;
	s26 =	simm.s32 $0x60  }
.LBB2_4:
0x34: {  	v10 =	vld [tilespmem:s28+$0xFFFFFFF0];
	s25 =	sadd.s32 $0x4, s25;
	vm7 =	vne.s32 v4, v2  }
0x35: {  	v11 =	vld [tilespmem:s26+$0x1];
	p0 =	slt.u32 s25, $0x4DC;
	vm6 =	vmor vm7, vm0;
	(xrf2) =	vadd.scan.msk.f32 $0xffff, v9  }
0x36: {  	v9 =	vld [tilespmem:s26+$0xFFFFFFF0];
	v12, _, _ =	vpop (xrf2)  }
0x37: {  	v13 =	vld [tilespmem:s26+$0x0]  }
0x38: {  	vm8 =	vne.s32 v8, v6;
	[tilespmem:v7+s18+$0x0] =	vst.idx.add.f32.msk vm5, v12  }
0x39: {  	v14 =	vld [tilespmem:s26+$0xFFFFFFF1];
	v15, _, _ =	vpop (xrf2)  }
0x3a: {  	v12 =	vsub.f32 $0.0e+00, v12;
	[tilespmem:v5+s18+$0x0] =	vst.idx.add.f32.msk vm4, v15  }
0x3b: {  	vm4 =	vmand vm3, vm1;
	v16 =	vld [tilespmem:s26+$0x11];
	v7 =	vmov v9  }
0x3c: {  	vm5 =	vmor vm8, vm0;
	v5 =	vld [tilespmem:s26+$0x10];
	v17, _, _ =	vpop (xrf2)  }
0x3d: {  	vm7 =	vmand vm7, vm1;
	v9 =	vld [tilespmem:s28+$0x0]  }
0x3e: {  	vm9 =	vmand vm2, vm1;
	vm8 =	vmand vm8, vm1;
	v18 =	vld [tilespmem:s28+$0x10]  }
0x3f: {  	v15 =	vsub.f32 $0.0e+00, v15;
	v20 =	vsub.f32 $0.0e+00, v17;
	v19 =	vld [tilespmem:s28+$0xFFFFFFE0];
	v21, _, _ =	vpop (xrf2)  }
0x40: {  	vm2 =	vne.s32 v7, v14;
	(xrf2) =	vadd.scan.msk.f32 $0xffff, v10;
	[tilespmem:v4+s18+$0x0] =	vst.idx.add.f32.msk vm6, v21;
	v4 =	vmov v13  }
0x41: {  	v10 =	vsub.f32 $0.0e+00, v21;
	vm3 =	vne.s32 v5, v16;
	[tilespmem:v3+s18+$0x0] =	vst.idx.add.f32.msk vm4, v15;
	v3 =	vmov v16  }
0x42: {  	vm4 =	vmor vm3, vm0;
	[tilespmem:v8+s18+$0x0] =	vst.idx.add.f32.msk vm5, v17  }
.Ltmp1:
0x43: {  	(xrf2) =	vadd.scan.msk.f32 $0xffff, v18;
	[tilespmem:v2+s18+$0x0] =	vst.idx.add.f32.msk vm7, v10;
	v2 =	vmov v11;
	(pc) =	sbr.rel @p0 .LBB2_4-.Ltmp1, $4  }
0x44: {  	[tilespmem:v1+s18+$0x0] =	vst.idx.add.f32.msk vm9, v12;
	v1 =	vmov v14  }
0x45: {  	[tilespmem:v6+s18+$0x0] =	vst.idx.add.f32.msk vm8, v20  }
0x46: {  	vm5 =	vmor vm2, vm0;
	v8 =	vld [tilespmem:s26+$0xFFFFFFE0];
	(xrf2) =	vadd.scan.msk.f32 $0xffff, v19  }
0x47: {  	s28 =	sadd.s32 $0x40, s28;
	v6 =	vld [tilespmem:s26+$0xFFFFFFE1];
	s26 =	sadd.s32 $0x40, s26  }
0x48: {  	(xrf2) =	vadd.scan.msk.f32 $0xffff, v9;
	_ =	sdelay $0x1  }
0x49: {  	vm3 =	vmand vm3, vm1;
	_ =	sdelay $0x1  }
0x4a: {  	vm6 =	vne.s32 v4, v2;
	vm2 =	vmand vm2, vm1;
	v58, _, _ =	vpop (xrf2)  }
0x4b: {  	vm7 =	vmor vm6, vm0;
	vm8 =	vne.s32 v8, v6;
	v10, _, _ =	vpop (xrf2)  }
0x4c: {  	vm9 =	vmor vm8, vm0;
	v60 =	vsub.f32 $0.0e+00, v10  }
0x4d: {  	vm15 =	vmand vm8, vm1;
	[tilespmem:v5+s18+$0x0] =	vst.idx.add.f32.msk vm4, v10  }
0x4e: {  	vm6 =	vmand vm6, vm1;
	[tilespmem:v3+s18+$0x0] =	vst.idx.add.f32.msk vm3, v60;
	v3 =	vsub.f32 $0.0e+00, v58  }
0x4f: {  	[tilespmem:v7+s18+$0x0] =	vst.idx.add.f32.msk vm5, v58;
	v59, _, _ =	vpop (xrf2)  }
0x50: {  	v61, _, _ =	vpop (xrf2);
	[tilespmem:v1+s18+$0x0] =	vst.idx.add.f32.msk vm2, v3  }
0x51: {  	v63 =	vsub.f32 $0.0e+00, v59;
	[tilespmem:v4+s18+$0x0] =	vst.idx.add.f32.msk vm7, v61  }
0x52: {  	v62 =	vsub.f32 $0.0e+00, v61;
	[tilespmem:v8+s18+$0x0] =	vst.idx.add.f32.msk vm9, v59  }
0x53: {  	[tilespmem:v6+s18+$0x0] =	vst.idx.add.f32.msk vm15, v63  }
0x54: {  	s25 =	simm.s32 $0x0;
	[tilespmem:v2+s18+$0x0] =	vst.idx.add.f32.msk vm6, v62  }
.LBB2_6:
0x55: {  	s26 =	sshra.s32 s25, $0x2  }
0x56: {  	v1 =	vld [tilespmem:s26+$0x9C30];
	_ =	sdelay $0x3  }
0x57: {  	v2 =	vld [tilespmem:s26+$0x4E00]  }
0x58: {  	v3 =	vld [tilespmem:s26+$0x4E01];
	(xrf2) =	vadd.scan.msk.f32 $0xffff, v1;
	_ =	sdelay $0x4  }
0x59: {  	vm2 =	vne.s32 v2, v3  }
0x5a: {  	vm3 =	vmor vm2, vm0  }
0x5b: {  	vm2 =	vmand vm2, vm1  }
0x5c: {  	p0 =	sne.s32 s25, $0x40  }
.Ltmp2:
0x5d: {  	_ = 	snop;
	(pc) =	sbr.rel @p0 .LBB2_6-.Ltmp2, $4  }
0x5e: {  	v1, _, _ =	vpop (xrf2)  }
0x5f: {  	v4 =	vsub.f32 $0.0e+00, v1  }
0x60: {  	[tilespmem:v2+s18+$0x0] =	vst.idx.add.f32.msk vm3, v1  }
0x61: {  	s25 =	sadd.s32 $0x40, s25;
	[tilespmem:v3+s18+$0x0] =	vst.idx.add.f32.msk vm2, v4  }
0x62: {  	[spmem:s7] =	stream.linear.scatter [tilespmem:s18], [sflag:$0x3], $0x2800, $0x38;
	[tilespmem:$0x13DE0] =	vst v63  }
0x63: {  	_ =	swait.ge [sflag:s19], $0x2800  }
0x64: {  	[sflag:s19] =	ssyncset.done $0x0  }
0x65: {  	[sflag:s19] =	ssyncadd.s32 $0xFFFFD800  }
0x66: {  	[bflag:$0x0] =	sbarrier.arrive $0xFFFF  }
0x67: {  	[tilespmem:s22], [sflag:$0x3] =	stream.strided.gather [spmem:s8], $0x2800, s21, s20, $0x38;
	[tilespmem:$0x13DE0] =	vst v63  }
0x68: {  	_ =	swait.ge [sflag:s19], $0x2800  }
0x69: {  	[sflag:s19] =	ssyncset.done $0x0  }
0x6a: {  	s26 =	simm.s32 $0x0;
	[sflag:s19] =	ssyncadd.s32 $0xFFFFD800  }
0x6b: {  	v1 =	vld [tilespmem:s26+$0xC450];
	_ =	sdelay $0x1  }
0x6c: {  	v2 =	vld [tilespmem:s26+$0xC6D0];
	_ =	sdelay $0x1  }
0x6d: {  	v3 =	vld [tilespmem:s26+$0xC950]  }
0x6e: {  	v1 =	vadd.f32 $0.0e+00, v1  }
0x6f: {  	v4 =	vld [tilespmem:s26+$0xCBD0]  }
0x70: {  	v1 =	vadd.f32 v2, v1  }
0x71: {  	v2 =	vld [tilespmem:s26+$0xCE50]  }
0x72: {  	v1 =	vadd.f32 v3, v1  }
0x73: {  	v3 =	vld [tilespmem:s26+$0xD0D0]  }
0x74: {  	v1 =	vadd.f32 v4, v1  }
0x75: {  	v4 =	vld [tilespmem:s26+$0xD350]  }
0x76: {  	v1 =	vadd.f32 v2, v1  }
0x77: {  	s25 =	simm.s32 $0x10;
	v2 =	vld [tilespmem:s26+$0xD5D0]  }
0x78: {  	v5 =	vld [tilespmem:s25+$0xC450];
	v1 =	vadd.f32 v3, v1  }
0x79: {  	v3 =	vld [tilespmem:s26+$0xD850]  }
0x7a: {  	v6 =	vld [tilespmem:s25+$0xC6D0];
	v1 =	vadd.f32 v4, v1  }
0x7b: {  	v4 =	vld [tilespmem:s26+$0xDAD0]  }
0x7c: {  	v7 =	vld [tilespmem:s25+$0xC950];
	v1 =	vadd.f32 v2, v1  }
0x7d: {  	v2 =	vld [tilespmem:s26+$0xDD50]  }
0x7e: {  	v8 =	vld [tilespmem:s25+$0xCBD0];
	v5 =	vadd.f32 $0.0e+00, v5;
	v1 =	vadd.f32 v3, v1  }
0x7f: {  	v3 =	vld [tilespmem:s26+$0xDFD0]  }
0x80: {  	v9 =	vld [tilespmem:s25+$0xCE50];
	v5 =	vadd.f32 v6, v5;
	v1 =	vadd.f32 v4, v1  }
0x81: {  	v6 =	vld [tilespmem:s26+$0xE250]  }
0x82: {  	v10 =	vld [tilespmem:s25+$0xD0D0];
	v4 =	vadd.f32 v7, v5;
	v1 =	vadd.f32 v2, v1  }
0x83: {  	v7 =	vld [tilespmem:s26+$0xE4D0]  }
0x84: {  	v2 =	vadd.f32 v8, v4;
	v4 =	vld [tilespmem:s25+$0xD350];
	v3 =	vadd.f32 v3, v1  }
0x85: {  	v1 =	vld [tilespmem:s26+$0xE750]  }
0x86: {  	v5 =	vld [tilespmem:s25+$0xD5D0];
	v8 =	vadd.f32 v9, v2;
	v63 =	vadd.f32 v6, v3  }
0x87: {  	v2 =	vld [tilespmem:s26+$0xE9D0]  }
0x88: {  	s28 =	simm.s32 $0x20;
	s29 =	simm.s32 $0xC0;
	v6 =	vadd.f32 v10, v8;
	v3 =	vld [tilespmem:s25+$0xD850];
	v7 =	vadd.f32 v7, v63  }
.LBB2_8:
0x89: {  	p0 =	sne.s32 s29, $0x9C0;
	v8 =	vld [tilespmem:s28+$0xC450]  }
0x8a: {  	v4 =	vadd.f32 v4, v6;
	v6 =	vld [tilespmem:s25+$0xDAD0];
	v1 =	vadd.f32 v1, v7  }
0x8b: {  	v7 =	vld [tilespmem:s28+$0xC6D0]  }
0x8c: {  	v4 =	vadd.f32 v5, v4;
	v5 =	vld [tilespmem:s25+$0xDD50];
	v1 =	vadd.f32 v2, v1  }
0x8d: {  	v2 =	vld [tilespmem:s28+$0xC950]  }
0x8e: {  	v8 =	vadd.f32 $0.0e+00, v8;
	v3 =	vadd.f32 v3, v4;
	v4 =	vld [tilespmem:s25+$0xDFD0];
	[tilespmem:s26+$0x9C50] =	vst v1;
	s26 =	smov.u32 s25;
	s25 =	smov.u32 s28  }
0x8f: {  	v1 =	vld [tilespmem:s25+$0xCBD0]  }
0x90: {  	v7 =	vadd.f32 v7, v8;
	v3 =	vadd.f32 v6, v3;
	v6 =	vld [tilespmem:s26+$0xE250]  }
0x91: {  	v8 =	vld [tilespmem:s25+$0xCE50]  }
0x92: {  	v2 =	vadd.f32 v2, v7;
	v3 =	vadd.f32 v5, v3;
	v7 =	vld [tilespmem:s26+$0xE4D0]  }
0x93: {  	v9 =	vld [tilespmem:s25+$0xD0D0]  }
.Ltmp3:
0x94: {  	v2 =	vadd.f32 v1, v2;
	v3 =	vadd.f32 v4, v3;
	v1 =	vld [tilespmem:s26+$0xE750];
	(pc) =	sbr.rel @p0 .LBB2_8-.Ltmp3, $4  }
0x95: {  	v4 =	vld [tilespmem:s25+$0xD350]  }
0x96: {  	v8 =	vadd.f32 v8, v2;
	v10 =	vadd.f32 v6, v3;
	v2 =	vld [tilespmem:s26+$0xE9D0]  }
0x97: {  	v5 =	vld [tilespmem:s25+$0xD5D0]  }
0x98: {  	s28 =	sshra.s32 s29, $0x2;
	s29 =	sadd.s32 $0x40, s29;
	v6 =	vadd.f32 v9, v8;
	v3 =	vld [tilespmem:s25+$0xD850];
	v7 =	vadd.f32 v7, v10  }
0x99: {  	v8 =	vld [tilespmem:s28+$0xC450]  }
0x9a: {  	v9 =	vld [tilespmem:s25+$0xDAD0];
	v1 =	vadd.f32 v1, v7  }
0x9b: {  	v7 =	vld [tilespmem:s28+$0xC6D0]  }
0x9c: {  	v10 =	vld [tilespmem:s25+$0xDD50];
	v4 =	vadd.f32 v4, v6;
	v1 =	vadd.f32 v2, v1  }
0x9d: {  	v2 =	vld [tilespmem:s28+$0xC950]  }
0x9e: {  	v6 =	vld [tilespmem:s25+$0xDFD0];
	v4 =	vadd.f32 v5, v4;
	v5 =	vadd.f32 $0.0e+00, v8;
	[tilespmem:s26+$0x9C50] =	vst v1  }
0x9f: {  	v1 =	vld [tilespmem:s28+$0xCBD0]  }
0xa0: {  	v3 =	vadd.f32 v3, v4;
	v4 =	vadd.f32 v7, v5  }
0xa1: {  	v5 =	vld [tilespmem:s28+$0xCE50]  }
0xa2: {  	v3 =	vadd.f32 v9, v3;
	v7 =	vld [tilespmem:s25+$0xE250];
	v2 =	vadd.f32 v2, v4  }
0xa3: {  	v4 =	vld [tilespmem:s28+$0xD0D0]  }
0xa4: {  	v8 =	vld [tilespmem:s25+$0xE4D0];
	v3 =	vadd.f32 v10, v3;
	v1 =	vadd.f32 v1, v2  }
0xa5: {  	v2 =	vld [tilespmem:s28+$0xD350]  }
0xa6: {  	v3 =	vadd.f32 v6, v3;
	v6 =	vld [tilespmem:s25+$0xE750];
	v1 =	vadd.f32 v5, v1  }
0xa7: {  	v5 =	vld [tilespmem:s28+$0xD5D0]  }
0xa8: {  	v3 =	vadd.f32 v7, v3;
	v7 =	vld [tilespmem:s25+$0xE9D0];
	v1 =	vadd.f32 v4, v1  }
0xa9: {  	v4 =	vld [tilespmem:s28+$0xD850]  }
0xaa: {  	v3 =	vadd.f32 v8, v3;
	v1 =	vadd.f32 v2, v1  }
0xab: {  	v2 =	vld [tilespmem:s28+$0xDAD0]  }
0xac: {  	v3 =	vadd.f32 v6, v3;
	v1 =	vadd.f32 v5, v1  }
0xad: {  	v5 =	vld [tilespmem:s28+$0xDD50]  }
0xae: {  	v3 =	vadd.f32 v7, v3;
	v1 =	vadd.f32 v4, v1  }
0xaf: {  	v4 =	vld [tilespmem:s28+$0xDFD0]  }
0xb0: {  	[tilespmem:s25+$0x9C50] =	vst v3;
	v1 =	vadd.f32 v2, v1  }
0xb1: {  	v2 =	vld [tilespmem:s28+$0xE250]  }
0xb2: {  	v1 =	vadd.f32 v5, v1  }
0xb3: {  	v3 =	vld [tilespmem:s28+$0xE4D0]  }
0xb4: {  	v1 =	vadd.f32 v4, v1  }
0xb5: {  	v4 =	vld [tilespmem:s28+$0xE750]  }
0xb6: {  	v1 =	vadd.f32 v2, v1  }
0xb7: {  	v2 =	vld [tilespmem:s28+$0xE9D0]  }
0xb8: {  	v1 =	vadd.f32 v3, v1;
	_ =	sdelay $0x1  }
0xb9: {  	v1 =	vadd.f32 v4, v1;
	_ =	sdelay $0x1  }
0xba: {  	v1 =	vadd.f32 v2, v1;
	_ =	sdelay $0x1  }
0xbb: {  	[tilespmem:s28+$0x9C50] =	vst v1  }
0xbc: {  	[spmem:s9] =	stream.linear.scatter [tilespmem:s18], [sflag:$0x3], $0x280, $0x38;
	[tilespmem:$0x13DE0] =	vst v63  }
0xbd: {  	_ =	swait.ge [sflag:s19], $0x280  }
0xbe: {  	[sflag:s19] =	ssyncset.done $0x0  }
0xbf: {  	[sflag:s19] =	ssyncadd.s32 $0xFFFFFD80  }
0xc0: {  	[bflag:$0x0] =	sbarrier.arrive $0xFFFF  }
0xc1: {  	[tilespmem:s18], [sflag:$0x3] =	stream.linear.gather [spmem:s2], $0x2800, $0x38;
	[tilespmem:$0x13DE0] =	vst v63  }
0xc2: {  	_ =	swait.ge [sflag:s19], $0x2800  }
0xc3: {  	[sflag:s19] =	ssyncset.done $0x0  }
0xc4: {  	[sflag:s19] =	ssyncadd.s32 $0xFFFFD800  }
0xc5: {  	v1 =	vld [tilespmem:s13+$0x10]  }
0xc6: {  	v2 =	vld [tilespmem:s13+$0xFFFFFFF0]  }
0xc7: {  	v3 =	vld [tilespmem:s13+$0x0];
	_ =	sdelay $0x3  }
0xc8: {  	s31 =	sadd.s32 $0x40, s13;
	v4 =	vld [tilespmem:s13+$0xFFFFFFE0]  }
0xc9: {  	v5 =	vld [tilespmem:s31+$0x10]  }
0xca: {  	v1 =	vld.idx.msk [tilespmem:v1+s18+$0x0], $0xffff  }
0xcb: {  	v2 =	vld.idx.msk [tilespmem:v2+s18+$0x0], $0xffff  }
0xcc: {  	v3 =	vld.idx.msk [tilespmem:v3+s18+$0x0], $0xffff  }
0xcd: {  	v6 =	vld [tilespmem:s31+$0xFFFFFFF0]  }
0xce: {  	v7 =	vld [tilespmem:s31+$0x0]  }
0xcf: {  	v8 =	vld [tilespmem:s31+$0xFFFFFFE0];
	(erf) = vrcp.f32 v1  }
0xd0: {  	(erf) = vrcp.f32 v2  }
0xd1: {  	v4 =	vld.idx.msk [tilespmem:v4+s18+$0x0], $0xffff;
	(erf) = vrcp.f32 v3  }
0xd2: {  	v9 =	vld [tilespmem:s14+$0x10]  }
0xd3: {  	s29 =	sadd.s32 $0x40, s31;
	v1 =	vld.idx.msk [tilespmem:v5+s18+$0x0], $0xffff  }
0xd4: {  	v5 =	vld [tilespmem:s29+$0x10]  }
0xd5: {  	v2 =	vld.idx.msk [tilespmem:v6+s18+$0x0], $0xffff  }
0xd6: {  	v3 =	vld.idx.msk [tilespmem:v7+s18+$0x0], $0xffff;
	(erf) = vrcp.f32 v4  }
0xd7: {  	v4 =	vld.idx.msk [tilespmem:v8+s18+$0x0], $0xffff  }
0xd8: {  	v8 =	vld [tilespmem:s29+$0xFFFFFFE0];
	v11 =	vpop (erf)  }
0xd9: {  	v6 =	vld [tilespmem:s29+$0xFFFFFFF0];
	(erf) = vrcp.f32 v1;
	v13 =	vpop (erf)  }
0xda: {  	v7 =	vld [tilespmem:s29+$0x0];
	v15 =	vpop (erf);
	(erf) = vrcp.f32 v2  }
0xdb: {  	v10 =	vld [tilespmem:s14+$0xFFFFFFE0];
	(erf) = vrcp.f32 v3  }
0xdc: {  	v12 =	vld [tilespmem:s14+$0xFFFFFFF0];
	(erf) = vrcp.f32 v4  }
0xdd: {  	s25 =	sadd.s32 $0x40, s14;
	v14 =	vld [tilespmem:s14+$0x0]  }
0xde: {  	v1 =	vld [tilespmem:s25+$0x10]  }
0xdf: {  	v9 =	vmul.f32 v11, v9;
	v2 =	vld.idx.msk [tilespmem:v5+s18+$0x0], $0xffff;
	v11 =	vpop (erf)  }
0xe0: {  	s26 =	simm.s32 $0xEC70;
	v5 =	vld.idx.msk [tilespmem:v8+s18+$0x0], $0xffff;
	v10 =	vmul.f32 v11, v10  }
0xe1: {  	v3 =	vld.idx.msk [tilespmem:v6+s18+$0x0], $0xffff;
	[tilespmem:s26+$0x10] =	vst v9;
	v6 =	vmul.f32 v13, v12  }
0xe2: {  	s28 =	simm.s32 $0x8;
	s29 =	sadd.s32 $0x40, s29;
	v4 =	vld.idx.msk [tilespmem:v7+s18+$0x0], $0xffff;
	v7 =	vmul.f32 v15, v14;
	v8 =	vpop (erf);
	[tilespmem:s26+$0xFFFFFFE0] =	vst v10  }
.LBB2_10:
0xe3: {  	v9 =	vld [tilespmem:s29+$0x10];
	s28 =	sadd.s32 $0x4, s28;
	v1 =	vmul.f32 v8, v1;
	v8 =	vpop (erf);
	[tilespmem:s26+$0xFFFFFFF0] =	vst v6  }
0xe4: {  	v6 =	vld [tilespmem:s29+$0xFFFFFFF0];
	p0 =	slt.u32 s28, $0x26C;
	v10 =	vpop (erf);
	[tilespmem:s26+$0x0] =	vst v7;
	s26 =	sadd.s32 $0x40, s26  }
0xe5: {  	v7 =	vld [tilespmem:s29+$0x0];
	(erf) = vrcp.f32 v2;
	[tilespmem:s26+$0x10] =	vst v1;
	v11 =	vpop (erf)  }
0xe6: {  	v12 =	vld [tilespmem:s29+$0xFFFFFFE0];
	(erf) = vrcp.f32 v3  }
0xe7: {  	(erf) = vrcp.f32 v4;
	v4 =	vld [tilespmem:s25+$0xFFFFFFE0]  }
0xe8: {  	(erf) = vrcp.f32 v5;
	v5 =	vld [tilespmem:s25+$0xFFFFFFF0]  }
0xe9: {  	v13 =	vld [tilespmem:s25+$0x0];
	s25 =	sadd.s32 $0x40, s25  }
.Ltmp4:
0xea: {  	v1 =	vld [tilespmem:s25+$0x10];
	(pc) =	sbr.rel @p0 .LBB2_10-.Ltmp4, $4  }
0xeb: {  	v2 =	vld.idx.msk [tilespmem:v9+s18+$0x0], $0xffff  }
0xec: {  	v3 =	vld.idx.msk [tilespmem:v6+s18+$0x0], $0xffff;
	v9 =	vmul.f32 v11, v4  }
0xed: {  	v4 =	vld.idx.msk [tilespmem:v7+s18+$0x0], $0xffff;
	v6 =	vmul.f32 v8, v5  }
0xee: {  	s29 =	sadd.s32 $0x40, s29;
	v5 =	vld.idx.msk [tilespmem:v12+s18+$0x0], $0xffff;
	v8 =	vpop (erf);
	[tilespmem:s26+$0xFFFFFFE0] =	vst v9;
	v7 =	vmul.f32 v10, v13  }
0xef: {  	_ = 	snop  }
0xf0: {  	(erf) = vrcp.f32 v2  }
0xf1: {  	(erf) = vrcp.f32 v3  }
0xf2: {  	(erf) = vrcp.f32 v4  }
0xf3: {  	v3 =	vld [tilespmem:s25+$0xFFFFFFF0];
	(erf) = vrcp.f32 v5  }
0xf4: {  	v2 =	vld [tilespmem:s25+$0xFFFFFFE0];
	_ =	sdelay $0x1  }
0xf5: {  	v57 =	vpop (erf);
	v58 =	vld [tilespmem:s25+$0x0];
	s29 =	sadd.s32 $0x40, s25;
	v1 =	vmul.f32 v8, v1  }
0xf6: {  	s30 =	sadd.s32 $0x40, s26;
	v9 =	vpop (erf);
	v10 =	vld [tilespmem:s29+$0x10]  }
0xf7: {  	v59 =	vld [tilespmem:s29+$0xFFFFFFE0];
	v11 =	vpop (erf);
	[tilespmem:s30+$0x10] =	vst v1;
	v1 =	vmul.f32 v57, v3  }
0xf8: {  	[tilespmem:s26+$0xFFFFFFF0] =	vst v6;
	v61 =	vld [tilespmem:s29+$0xFFFFFFF0];
	v2 =	vmul.f32 v11, v2;
	v60 =	vpop (erf)  }
0xf9: {  	[tilespmem:s26+$0x0] =	vst v7;
	v62 =	vld [tilespmem:s29+$0x0];
	v3 =	vpop (erf)  }
0xfa: {  	[tilespmem:s30+$0xFFFFFFE0] =	vst v2;
	v2 =	vmul.f32 v9, v58;
	v63 =	vpop (erf)  }
0xfb: {  	[tilespmem:s30+$0xFFFFFFF0] =	vst v1;
	v7 =	vmul.f32 v60, v10;
	v1 =	vpop (erf)  }
0xfc: {  	s31 =	sadd.s32 $0x40, s30;
	[tilespmem:s30+$0x0] =	vst v2;
	v1 =	vmul.f32 v1, v59  }
0xfd: {  	v2 =	vmul.f32 v3, v61;
	[tilespmem:s31+$0x10] =	vst v7  }
0xfe: {  	[tilespmem:s31+$0xFFFFFFE0] =	vst v1;
	v1 =	vmul.f32 v63, v62  }
0xff: {  	[tilespmem:s31+$0xFFFFFFF0] =	vst v2  }
0x100: {  	[tilespmem:s31+$0x0] =	vst v1  }
0x101: {  	v1 =	vld [tilespmem:s4+$0x2700];
	_ =	sdelay $0x7  }
0x102: {  	v1 =	vld.idx.msk [tilespmem:v1+s18+$0x0], $0xffff;
	_ =	sdelay $0x4  }
0x103: {  	(erf) = vrcp.f32 v1;
	_ =	sdelay $0x4  }
0x104: {  	v1 =	vld [tilespmem:s10+$0x4E30];
	_ =	sdelay $0x3  }
0x105: {  	v2 =	vpop (erf)  }
0x106: {  	s24 =	sadd.s32 $0x1, s24;
	v1 =	vmul.f32 v2, v1  }
0x107: {  	p0 =	sne.s32 s24, s12  }
.Ltmp5:
0x108: {  	[tilespmem:$0x11350] =	vst v1;
	(pc) =	sbr.rel @p0 .LBB2_1-.Ltmp5, $4  }
0x109: {  	[hbm4b:s11+s3] =	stream.linear.scatter [tilespmem:s23], [sflag:$0x3], $0x2710, $0x38;
	[tilespmem:$0x13DE0] =	vst v63  }
0x10a: {  	_ =	swait.ge [sflag:s19], $0x2710  }
0x10b: {  	[sflag:s19] =	ssyncset.done $0x0  }
0x10c: {  	[sflag:s19] =	ssyncadd.s32 $0xFFFFD8F0  }
0x10d: {  	_ =	sfence.sel $0x180000  }
0x10e: {  	[bflag:$0x0] =	sbarrier.arrive $0xFFFF  }
0x10f: {  	p0 =	sne.s32 s1, $0x0;
	_ =	strace $0x90000047  }
0x110: {  	s0 =	sadd.s32 @!p0 $0x100000, s0;
	[bflag:$0x2] =	sbarrier.arrive $0xFFFF  }
0x111: {  	[sflag:s0] =	ssyncadd.tile.s32 @!p0 $0x1;
	_ =	shalt  }
.Lfunc_end2:
_tile_overlayer_lowered:
.L_overlay_start_2:
0x112: {  	(tag) =	ssettag $0x2  }
0x113: {  	s0 =	rddreg [dreg:$0x0];
	s2 =	stileid.u32  }
0x114: {  	s1 =	rddreg [dreg:$0x1];
	p0 =	sne.s32 s2, $0x0  }
0x115: {  	s3 =	rddreg [dreg:$0x2];
	[bflag:$0x3] =	sbarrier.arrive $0xFFFF;
	s2 =	simm.s32 @!p0 $0x1C03  }
0x116: {  	[timem:s3], [sflag:s2] =	dma.local @!p0 [hbm:s0], s1  }
0x117: {  	s0 =	simm.s32 @!p0 $0x3  }
0x118: {  	_ =	swait.ge @!p0 [sflag:s0], s1  }
0x119: {  	s1 =	ssub.s32 @!p0 $0x0, s1;
	[sflag:s0] =	ssyncset.done @!p0 $0x0  }
0x11a: {  	[sflag:s0] =	ssyncadd.s32 @!p0 s1  }
0x11b: {  	[bflag:$0x3] =	sbarrier.arrive $0xFFFF  }
0x11c: {  	_ =	shalt  }

</sc_bundles>
